<compile_context>
chip_gen: v7x
topology: tpu7x:2x2x1
jax: 0.10.2.dev20260603
libtpu: 0.0.44.dev20260713+nightly
codegen_flags: <defaults>
</compile_context>

<pallas_src>
import functools

import jax
import jax.numpy as jnp
from jax import lax
from jax.experimental import pallas as pl
from jax.experimental.pallas import tpu as pltpu
from jax.experimental.pallas import tpu_sc as plsc

NNODE = 1000
NPAD = 1024
RCHUNK = 512
NEDGE = 16000
F_IN = 128
HID = 32
RNN = 128
LAT = 64

SC_NC = 2
SC_NS = 16
SC_L = 16
SC_NW = SC_NC * SC_NS
SC_ROWS = NPAD // SC_NW
SC_TILE = SC_ROWS * NPAD


def _sc_counts_body(src_hbm, dst_hbm, out_hbm, src_v, dst_v, c_v):
    wid = lax.axis_index("s") * SC_NC + lax.axis_index("c")
    base = wid * SC_ROWS
    pltpu.sync_copy(src_hbm, src_v)
    pltpu.sync_copy(dst_hbm, dst_v)

    zeros16 = jnp.zeros((SC_L,), jnp.float32)

    def zero_body(i, _):
        c_v[pl.ds(i * SC_L, SC_L)] = zeros16
        return 0

    lax.fori_loop(0, SC_TILE // SC_L, zero_body, 0)

    ones16 = jnp.ones((SC_L,), jnp.float32)
    lane = lax.iota(jnp.int32, SC_L)

    def edge_body(i, _):
        s16 = src_v[pl.ds(i * SC_L, SC_L)]
        d16 = dst_v[pl.ds(i * SC_L, SC_L)]
        local = d16 - base
        inr = (d16 >= base) & (d16 < base + SC_ROWS)
        flat = local * NPAD + s16
        for l in range(SC_L):
            plsc.addupdate_scatter(c_v, [flat], ones16, mask=inr & (lane == l))
        return 0

    lax.fori_loop(0, NEDGE // SC_L, edge_body, 0)

    for half in range(SC_ROWS // SC_L):
        loc = lane + half * SC_L
        gl = loc + base
        plsc.addupdate_scatter(c_v, [loc * NPAD + gl], ones16,
                               mask=gl < NNODE)

    pltpu.sync_copy(c_v, out_hbm.at[pl.ds(wid * SC_TILE, SC_TILE)])


@jax.jit
def _sc_counts(src, dst):
    mesh = plsc.VectorSubcoreMesh(core_axis_name="c", subcore_axis_name="s")
    k = functools.partial(
        pl.kernel,
        out_type=jax.ShapeDtypeStruct((NPAD * NPAD,), jnp.float32),
        mesh=mesh,
        compiler_params=pltpu.CompilerParams(needs_layout_passes=False),
        scratch_types=[
            pltpu.VMEM((NEDGE,), jnp.int32),
            pltpu.VMEM((NEDGE,), jnp.int32),
            pltpu.VMEM((SC_TILE,), jnp.float32),
        ],
    )(_sc_counts_body)
    return k(src, dst).reshape(NPAD, NPAD)


def _gat_layer(xin, Ct, W, SrcA, DstA, b, heads):
    h = jnp.dot(xin, W, preferred_element_type=jnp.float32)
    asrc_all = jnp.dot(h, SrcA, preferred_element_type=jnp.float32,
                       precision=lax.Precision.HIGHEST)
    adst_all = jnp.dot(h, DstA, preferred_element_type=jnp.float32,
                       precision=lax.Precision.HIGHEST)
    asrc_rows = jnp.transpose(asrc_all)
    ones_col = jnp.ones((NPAD, 1), jnp.float32)
    outs = []
    for hd in range(heads):
        hh = h[:, hd * HID:(hd + 1) * HID]
        hh1 = jnp.concatenate([hh, ones_col], axis=1)
        asrc_row = asrc_rows[hd:hd + 1, :]
        num_es_chunks = []
        for r0 in range(0, NPAD, RCHUNK):
            adst_col = adst_all[r0:r0 + RCHUNK, hd:hd + 1]
            t = adst_col + asrc_row
            t = jnp.maximum(t, 0.2 * t)
            p = Ct[r0:r0 + RCHUNK, :] * jnp.exp2(t)
            num_es_chunks.append(
                jnp.dot(p, hh1, preferred_element_type=jnp.float32,
                        precision=lax.Precision.HIGHEST))
        num_es = jnp.concatenate(num_es_chunks, axis=0)
        es = num_es[:, HID:HID + 1]
        outs.append(num_es[:, :HID] / (es + 1e-16))
    out = jnp.concatenate(outs, axis=1) if len(outs) > 1 else outs[0]
    out = out + b[None, :]
    return jnp.maximum(out, 0.0)


def _gat_pool_body(x_ref, c_ref, w1_ref, s1_ref, d1_ref, b1_ref,
                   w2_ref, s2_ref, d2_ref, b2_ref,
                   w3_ref, s3_ref, d3_ref, b3_ref, ge_ref):
    Ct = c_ref[...]

    xg = x_ref[0]
    xg = jnp.concatenate(
        [xg, jnp.zeros((NPAD - NNODE, F_IN), jnp.float32)], axis=0)

    h1 = _gat_layer(xg, Ct, w1_ref[...], s1_ref[...], d1_ref[...],
                    b1_ref[...], 4)
    h2 = _gat_layer(h1, Ct, w2_ref[...], s2_ref[...], d2_ref[...],
                    b2_ref[...], 4)
    h3 = _gat_layer(h2, Ct, w3_ref[...], s3_ref[...], d3_ref[...],
                    b3_ref[...], 1)
    ge_ref[0, 0, :] = jnp.sum(h3[:NNODE], axis=0)


@jax.jit
def _gat_pool(xg, C, W1, a1s, a1d, b1, W2, a2s, a2d, b2, W3, a3s, a3d, b3):
    G = xg.shape[0]
    full = lambda shape: pl.BlockSpec(shape, lambda g: (0,) * len(shape))
    return pl.pallas_call(
        _gat_pool_body,
        grid=(G,),
        in_specs=[
            pl.BlockSpec((1, NNODE, F_IN), lambda g: (g, 0, 0)),
            full((NPAD, NPAD)),
            full((F_IN, 4 * HID)), full((F_IN, 4)), full((F_IN, 4)),
            full((4 * HID,)),
            full((4 * HID, 4 * HID)), full((4 * HID, 4)), full((4 * HID, 4)),
            full((4 * HID,)),
            full((4 * HID, HID)), full((HID, 1)), full((HID, 1)),
            full((HID,)),
        ],
        out_specs=pl.BlockSpec((1, 1, HID), lambda g: (g, 0, 0)),
        out_shape=jax.ShapeDtypeStruct((G, 1, HID), jnp.float32),
    )(xg, C, W1, a1s, a1d, b1, W2, a2s, a2d, b2, W3, a3s, a3d, b3)


def _lstm_dir(xs, WihT, WhhT, bsum, reverse):
    seq = xs.shape[0]
    bs = xs.shape[1]
    h = jnp.zeros((bs, RNN), jnp.float32)
    c = jnp.zeros((bs, RNN), jnp.float32)
    for t in range(seq):
        tt = seq - 1 - t if reverse else t
        xt = xs[tt]
        g = (jnp.dot(xt, WihT, preferred_element_type=jnp.float32)
             + jnp.dot(h, WhhT, preferred_element_type=jnp.float32) + bsum)
        gi = g[:, 0 * RNN:1 * RNN]
        gf = g[:, 1 * RNN:2 * RNN]
        gg = g[:, 2 * RNN:3 * RNN]
        go = g[:, 3 * RNN:4 * RNN]
        c = jax.nn.sigmoid(gf) * c + jax.nn.sigmoid(gi) * jnp.tanh(gg)
        h = jax.nn.sigmoid(go) * jnp.tanh(c)
    return h


def _head_body(xs_ref, wihf_ref, whhf_ref, bf_ref, wihb_ref, whhb_ref,
               bb_ref, wmu_ref, bmu_ref, wlv_ref, blv_ref, mu_ref, lv_ref):
    xs = xs_ref[...]
    hf = _lstm_dir(xs, wihf_ref[...], whhf_ref[...], bf_ref[...][None, :],
                   False)
    hb = _lstm_dir(xs, wihb_ref[...], whhb_ref[...], bb_ref[...][None, :],
                   True)
    tfeat = jnp.concatenate([hf, hb], axis=1)
    mu = jnp.dot(tfeat, wmu_ref[...],
                 preferred_element_type=jnp.float32) + bmu_ref[...][None, :]
    lv = jnp.dot(tfeat, wlv_ref[...],
                 preferred_element_type=jnp.float32) + blv_ref[...][None, :]
    norm = jnp.sqrt(jnp.sum(mu * mu, axis=-1, keepdims=True))
    norm = jnp.maximum(norm, 1e-15)
    maxn = 1.0 - 4e-3
    mu = jnp.where(norm > maxn, mu / norm * maxn, mu)
    mu_ref[...] = mu
    lv_ref[...] = lv


@jax.jit
def _head(xs, WihTf, WhhTf, bf, WihTb, WhhTb, bb, Wmu, bmu, Wlv, blv):
    seq, bs, _ = xs.shape
    return pl.pallas_call(
        _head_body,
        out_shape=(jax.ShapeDtypeStruct((bs, LAT), jnp.float32),
                   jax.ShapeDtypeStruct((bs, LAT), jnp.float32)),
    )(xs, WihTf, WhhTf, bf, WihTb, WhhTb, bb, Wmu, bmu, Wlv, blv)


def kernel(x, edge_index, W1, as1, ad1, b1, W2, as2, ad2, b2, W3, as3, ad3,
           b3, Wih_f, Whh_f, bih_f, bhh_f, Wih_b, Whh_b, bih_b, bhh_b,
           Wmu, bmu, Wlv, blv):
    bs, seq, nn, nf = x.shape
    G = bs * seq
    xg = x.reshape(G, nn, nf)

    src = edge_index[0].astype(jnp.int32)
    dst = edge_index[1].astype(jnp.int32)
    C = _sc_counts(src, dst)

    def blockdiag(a):
        heads = a.shape[0]
        bd = (a[:, :, None] * jnp.eye(heads, dtype=a.dtype)[:, None, :]
              ).reshape(heads * HID, heads)
        return bd * jnp.float32(1.4426950408889634)

    ge = _gat_pool(xg, C,
                   W1, blockdiag(as1), blockdiag(ad1), b1,
                   W2, blockdiag(as2), blockdiag(ad2), b2,
                   W3, blockdiag(as3), blockdiag(ad3), b3)
    ge = ge.reshape(bs, seq, HID)
    xs = jnp.transpose(ge, (1, 0, 2))

    mu, lv = _head(xs,
                   Wih_f.T, Whh_f.T, bih_f + bhh_f,
                   Wih_b.T, Whh_b.T, bih_b + bhh_b,
                   Wmu, bmu, Wlv, blv)
    return (mu, lv)

# --- scband reference (transcript-rebuilt; emitter-appended) ---
"""Pipeline reference for scband-poincare-encoder-13615046328718 (READ-ONLY COPY).

The authoritative reference and input builder live on the scoring server;
editing this copy changes nothing except your own understanding.
"""

import jax, jax.numpy as jnp
import numpy as np

BS=2; SEQ=16; NN=1000; NE=16000; NF=128; HID=32; HEADS=4; RNN=128; LAT=64

def _p(k, shape):
    return jax.random.normal(k, shape, dtype=jnp.float32) * 0.1

def setup_inputs(seed: int = 0):
    key = jax.random.key(seed)
    ks = jax.random.split(key, 32)
    d = {}
    d["x"] = jax.random.normal(ks[0], (BS, SEQ, NN, NF), dtype=jnp.float32)
    d["edge_index"] = jax.random.randint(ks[1], (2, NE), 0, NN)
    d["W1"] = _p(ks[2], (NF, HEADS*HID)); d["as1"] = _p(ks[3], (HEADS, HID)); d["ad1"] = _p(ks[4], (HEADS, HID)); d["b1"] = jnp.zeros((HEADS*HID,), jnp.float32)
    d["W2"] = _p(ks[5], (HEADS*HID, HEADS*HID)); d["as2"] = _p(ks[6], (HEADS, HID)); d["ad2"] = _p(ks[7], (HEADS, HID)); d["b2"] = jnp.zeros((HEADS*HID,), jnp.float32)
    d["W3"] = _p(ks[8], (HEADS*HID, HID)); d["as3"] = _p(ks[9], (1, HID)); d["ad3"] = _p(ks[10], (1, HID)); d["b3"] = jnp.zeros((HID,), jnp.float32)
    d["Wih_f"] = _p(ks[11], (4*RNN, HID)); d["Whh_f"] = _p(ks[12], (4*RNN, RNN)); d["bih_f"] = jnp.zeros((4*RNN,), jnp.float32); d["bhh_f"] = jnp.zeros((4*RNN,), jnp.float32)
    d["Wih_b"] = _p(ks[13], (4*RNN, HID)); d["Whh_b"] = _p(ks[14], (4*RNN, RNN)); d["bih_b"] = jnp.zeros((4*RNN,), jnp.float32); d["bhh_b"] = jnp.zeros((4*RNN,), jnp.float32)
    d["Wmu"] = _p(ks[15], (2*RNN, LAT)); d["bmu"] = jnp.zeros((LAT,), jnp.float32)
    d["Wlv"] = _p(ks[16], (2*RNN, LAT)); d["blv"] = jnp.zeros((LAT,), jnp.float32)
    return d

def _gat(x, src, dst, N, W, a_s, a_d, b, heads, oc, concat):
    h = (x @ W).reshape(N, heads, oc)
    asrc = (h * a_s[None, :, :]).sum(-1)
    adst = (h * a_d[None, :, :]).sum(-1)
    e = jax.nn.leaky_relu(asrc[src] + adst[dst], 0.2)
    emax = jax.ops.segment_max(e, dst, num_segments=N)
    ee = jnp.exp(e - emax[dst])
    es = jax.ops.segment_sum(ee, dst, num_segments=N)
    alpha = ee / (es[dst] + 1e-16)
    out = jax.ops.segment_sum(h[src] * alpha[:, :, None], dst, num_segments=N)
    out = out.reshape(N, heads*oc) if concat else out.mean(axis=1)
    return out + b

def _lstm(xs, Wih, Whh, bih, bhh, hid):
    def step(carry, xt):
        h, c = carry
        g = xt @ Wih.T + bih + h @ Whh.T + bhh
        i, f, gg, o = jnp.split(g, 4, axis=-1)
        c = jax.nn.sigmoid(f) * c + jax.nn.sigmoid(i) * jnp.tanh(gg)
        h = jax.nn.sigmoid(o) * jnp.tanh(c)
        return (h, c), None
    h0 = jnp.zeros((xs.shape[1], hid), xs.dtype)
    (hT, _), _ = jax.lax.scan(step, (h0, h0), xs)
    return hT

def _forward(x, edge_index, W1, as1, ad1, b1, W2, as2, ad2, b2, W3, as3, ad3, b3, Wih_f, Whh_f, bih_f, bhh_f, Wih_b, Whh_b, bih_b, bhh_b, Wmu, bmu, Wlv, blv):
    bs, seq, nn, _ = x.shape
    G = bs * seq; N = G * nn; E = edge_index.shape[1]
    xt = x.reshape(N, -1)
    off = jnp.repeat(jnp.arange(G) * nn, E)
    bei = jnp.tile(edge_index, (1, G)) + off[None, :]
    loop = jnp.arange(N)
    src = jnp.concatenate([bei[0], loop]); dst = jnp.concatenate([bei[1], loop])
    xt = jax.nn.relu(_gat(xt, src, dst, N, W1, as1, ad1, b1, HEADS, HID, True))
    xt = jax.nn.relu(_gat(xt, src, dst, N, W2, as2, ad2, b2, HEADS, HID, True))
    xt = jax.nn.relu(_gat(xt, src, dst, N, W3, as3, ad3, b3, 1, HID, False))
    batch_idx = jnp.repeat(jnp.arange(G), nn)
    ge = jax.ops.segment_sum(xt, batch_idx, num_segments=G).reshape(bs, seq, -1)
    xs = jnp.transpose(ge, (1, 0, 2))
    hf = _lstm(xs, Wih_f, Whh_f, bih_f, bhh_f, RNN)
    hb = _lstm(xs[::-1], Wih_b, Whh_b, bih_b, bhh_b, RNN)
    tfeat = jnp.concatenate([hf, hb], axis=1)
    mu = tfeat @ Wmu + bmu
    logvar = tfeat @ Wlv + blv
    norm = jnp.maximum(jnp.linalg.norm(mu, axis=-1, keepdims=True), 1e-15)
    maxn = 1.0 - 4e-3
    mu = jnp.where(norm > maxn, mu / norm * maxn, mu)
    return (mu, logvar)

def reference(x, edge_index, W1, as1, ad1, b1, W2, as2, ad2, b2, W3, as3, ad3, b3, Wih_f, Whh_f, bih_f, bhh_f, Wih_b, Whh_b, bih_b, bhh_b, Wmu, bmu, Wlv, blv):
    return _forward(x, edge_index, W1, as1, ad1, b1, W2, as2, ad2, b2, W3, as3, ad3, b3, Wih_f, Whh_f, bih_f, bhh_f, Wih_b, Whh_b, bih_b, bhh_b, Wmu, bmu, Wlv, blv)

if __name__ == "__main__":
    import jax
    _d = setup_inputs()
    print(jax.jit(kernel)(*tuple(_d.values())))

</pallas_src>

<mosaic_0001>
#map = affine_map<(d0, d1) -> (0)>
module attributes {stable_mosaic.version = 14 : i64} {
  func.func @_sc_counts_body(%arg0: i32, %arg1: i32, %arg2: memref<16000xi32, #tpu.memory_space<hbm>>, %arg3: memref<16000xi32, #tpu.memory_space<hbm>>, %arg4: memref<1048576xf32, #tpu.memory_space<hbm>>, %arg5: memref<16000xi32, #tpu.memory_space<vmem>>, %arg6: memref<16000xi32, #tpu.memory_space<vmem>>, %arg7: memref<32768xf32, #tpu.memory_space<vmem>>) attributes {dimension_semantics = [#tpu.dimension_semantics<core_parallel>, #tpu.dimension_semantics<subcore_parallel>], iteration_bounds = array<i64: 2, 16>, scalar_prefetch = 0 : i64, scratch_operands = 3 : i64, tpu.core_type = #tpu.core_type<sc_vector_subcore>, window_params = [{transform_indices = #map}, {transform_indices = #map}, {transform_indices = #map}]} {
    %mul3A = arith.constant 2 : i32
    %mul3A_0 = arith.muli %arg1, %mul3A : i32
    %add3A = arith.addi %mul3A_0, %arg0 : i32
    %mul3A_1 = arith.constant 32 : i32
    %mul3A_2 = arith.muli %add3A, %mul3A_1 : i32
    "tpu.region"() ({
      %run_scoped3A = tpu.sem_alloc : memref<!tpu.dma_semaphore, #tpu.memory_space<semaphore_mem>>
      tpu.enqueue_dma source(%arg2 : memref<16000xi32, #tpu.memory_space<hbm>>) target(%arg5 : memref<16000xi32, #tpu.memory_space<vmem>>) target_semaphore(%run_scoped3A : memref<!tpu.dma_semaphore, #tpu.memory_space<semaphore_mem>>)
      tpu.wait_dma2 semaphore(%run_scoped3A : memref<!tpu.dma_semaphore, #tpu.memory_space<semaphore_mem>>) src(%arg2 : memref<16000xi32, #tpu.memory_space<hbm>>) dst(%arg5 : memref<16000xi32, #tpu.memory_space<vmem>>)
      tpu.yield
    }) : () -> ()
    "tpu.region"() ({
      %run_scoped3A = tpu.sem_alloc : memref<!tpu.dma_semaphore, #tpu.memory_space<semaphore_mem>>
      tpu.enqueue_dma source(%arg3 : memref<16000xi32, #tpu.memory_space<hbm>>) target(%arg6 : memref<16000xi32, #tpu.memory_space<vmem>>) target_semaphore(%run_scoped3A : memref<!tpu.dma_semaphore, #tpu.memory_space<semaphore_mem>>)
      tpu.wait_dma2 semaphore(%run_scoped3A : memref<!tpu.dma_semaphore, #tpu.memory_space<semaphore_mem>>) src(%arg3 : memref<16000xi32, #tpu.memory_space<hbm>>) dst(%arg6 : memref<16000xi32, #tpu.memory_space<vmem>>)
      tpu.yield
    }) : () -> ()
    %broadcast_in_dim3A = arith.constant 0.000000e+00 : f32
    %broadcast_in_dim3A_3 = vector.broadcast %broadcast_in_dim3A : f32 to vector<16xf32>
    %scan3A = arith.constant 0 : i32
    %scan3A_4 = arith.constant 0 : i32
    %scan3A_5 = arith.constant 2048 : i32
    %scan3A_6 = arith.addi %scan3A_4, %scan3A_5 : i32
    %scan3A_7 = arith.constant 1 : i32
    %scan3A_8 = scf.for %scan3A_44 = %scan3A_4 to %scan3A_6 step %scan3A_7 iter_args(%scan3A_45 = %scan3A) -> (i32)  : i32 {
      %mul3A_46 = arith.constant 16 : i32
      %mul3A_47 = arith.muli %scan3A_44, %mul3A_46 : i32
      %swap3A = arith.index_cast %mul3A_47 : i32 to index
      %swap3A_48 = tpu.vector_load %arg7[%swap3A] {strides = array<i32>} : memref<32768xf32, #tpu.memory_space<vmem>>, vector<16xf32>,
      tpu.vector_store %arg7[%swap3A], %broadcast_in_dim3A_3 {strides = array<i32>} : memref<32768xf32, #tpu.memory_space<vmem>>, vector<16xf32>,
      %scan3A_49 = arith.constant 0 : i32
      scf.yield %scan3A_49 : i32
    }
    %scan3A_9 = arith.constant 2048 : i32
    %broadcast_in_dim3A_10 = arith.constant 1.000000e+00 : f32
    %broadcast_in_dim3A_11 = vector.broadcast %broadcast_in_dim3A_10 : f32 to vector<16xf32>
    %iota3A = tpu.iota {dimensions = array<i32: 0>} : vector<16xi32>
    %scan3A_12 = arith.constant 0 : i32
    %scan3A_13 = arith.constant 0 : i32
    %scan3A_14 = arith.constant 1000 : i32
    %scan3A_15 = arith.addi %scan3A_13, %scan3A_14 : i32
    %scan3A_16 = arith.constant 1 : i32
    %scan3A_17 = scf.for %scan3A_44 = %scan3A_13 to %scan3A_15 step %scan3A_16 iter_args(%scan3A_45 = %scan3A_12) -> (i32)  : i32 {
      %mul3A_46 = arith.constant 16 : i32
      %mul3A_47 = arith.muli %scan3A_44, %mul3A_46 : i32
      %get3A = arith.index_cast %mul3A_47 : i32 to index
      %get3A_48 = tpu.vector_load %arg5[%get3A] {strides = array<i32>} : memref<16000xi32, #tpu.memory_space<vmem>>, vector<16xi32>,
      %mul3A_49 = arith.constant 16 : i32
      %mul3A_50 = arith.muli %scan3A_44, %mul3A_49 : i32
      %get3A_51 = arith.index_cast %mul3A_50 : i32 to index
      %get3A_52 = tpu.vector_load %arg6[%get3A_51] {strides = array<i32>} : memref<16000xi32, #tpu.memory_space<vmem>>, vector<16xi32>,
      %sub3A = vector.broadcast %mul3A_2 : i32 to vector<16xi32>
      %sub3A_53 = arith.subi %get3A_52, %sub3A : vector<16xi32>
      %ge3A = vector.broadcast %mul3A_2 : i32 to vector<16xi32>
      %ge3A_54 = arith.cmpi sge, %get3A_52, %ge3A : vector<16xi32>
      %add3A_55 = arith.constant 32 : i32
      %add3A_56 = arith.addi %mul3A_2, %add3A_55 : i32
      %lt3A_57 = vector.broadcast %add3A_56 : i32 to vector<16xi32>
      %lt3A_58 = arith.cmpi slt, %get3A_52, %lt3A_57 : vector<16xi32>
      %and3A = arith.andi %ge3A_54, %lt3A_58 : vector<16xi1>
      %mul3A_59 = arith.constant 1024 : i32
      %mul3A_60 = vector.broadcast %mul3A_59 : i32 to vector<16xi32>
      %mul3A_61 = arith.muli %sub3A_53, %mul3A_60 : vector<16xi32>
      %add3A_62 = arith.addi %mul3A_61, %get3A_48 : vector<16xi32>
      %eq3A = arith.constant 0 : i32
      %eq3A_63 = vector.broadcast %eq3A : i32 to vector<16xi32>
      %eq3A_64 = arith.cmpi eq, %iota3A, %eq3A_63 : vector<16xi32>
      %and3A_65 = arith.andi %and3A, %eq3A_64 : vector<16xi1>
      tpu.vector_store_idx %arg7[%add3A_62], %broadcast_in_dim3A_11 masked %and3A_65 {add = true} : memref<32768xf32, #tpu.memory_space<vmem>>[vector<16xi32>], vector<16xf32>, vector<16xi1>
      %eq3A_66 = arith.constant 1 : i32
      %eq3A_67 = vector.broadcast %eq3A_66 : i32 to vector<16xi32>
      %eq3A_68 = arith.cmpi eq, %iota3A, %eq3A_67 : vector<16xi32>
      %and3A_69 = arith.andi %and3A, %eq3A_68 : vector<16xi1>
      tpu.vector_store_idx %arg7[%add3A_62], %broadcast_in_dim3A_11 masked %and3A_69 {add = true} : memref<32768xf32, #tpu.memory_space<vmem>>[vector<16xi32>], vector<16xf32>, vector<16xi1>
      %eq3A_70 = arith.constant 2 : i32
      %eq3A_71 = vector.broadcast %eq3A_70 : i32 to vector<16xi32>
      %eq3A_72 = arith.cmpi eq, %iota3A, %eq3A_71 : vector<16xi32>
      %and3A_73 = arith.andi %and3A, %eq3A_72 : vector<16xi1>
      tpu.vector_store_idx %arg7[%add3A_62], %broadcast_in_dim3A_11 masked %and3A_73 {add = true} : memref<32768xf32, #tpu.memory_space<vmem>>[vector<16xi32>], vector<16xf32>, vector<16xi1>
      %eq3A_74 = arith.constant 3 : i32
      %eq3A_75 = vector.broadcast %eq3A_74 : i32 to vector<16xi32>
      %eq3A_76 = arith.cmpi eq, %iota3A, %eq3A_75 : vector<16xi32>
      %and3A_77 = arith.andi %and3A, %eq3A_76 : vector<16xi1>
      tpu.vector_store_idx %arg7[%add3A_62], %broadcast_in_dim3A_11 masked %and3A_77 {add = true} : memref<32768xf32, #tpu.memory_space<vmem>>[vector<16xi32>], vector<16xf32>, vector<16xi1>
      %eq3A_78 = arith.constant 4 : i32
      %eq3A_79 = vector.broadcast %eq3A_78 : i32 to vector<16xi32>
      %eq3A_80 = arith.cmpi eq, %iota3A, %eq3A_79 : vector<16xi32>
      %and3A_81 = arith.andi %and3A, %eq3A_80 : vector<16xi1>
      tpu.vector_store_idx %arg7[%add3A_62], %broadcast_in_dim3A_11 masked %and3A_81 {add = true} : memref<32768xf32, #tpu.memory_space<vmem>>[vector<16xi32>], vector<16xf32>, vector<16xi1>
      %eq3A_82 = arith.constant 5 : i32
      %eq3A_83 = vector.broadcast %eq3A_82 : i32 to vector<16xi32>
      %eq3A_84 = arith.cmpi eq, %iota3A, %eq3A_83 : vector<16xi32>
      %and3A_85 = arith.andi %and3A, %eq3A_84 : vector<16xi1>
      tpu.vector_store_idx %arg7[%add3A_62], %broadcast_in_dim3A_11 masked %and3A_85 {add = true} : memref<32768xf32, #tpu.memory_space<vmem>>[vector<16xi32>], vector<16xf32>, vector<16xi1>
      %eq3A_86 = arith.constant 6 : i32
      %eq3A_87 = vector.broadcast %eq3A_86 : i32 to vector<16xi32>
      %eq3A_88 = arith.cmpi eq, %iota3A, %eq3A_87 : vector<16xi32>
      %and3A_89 = arith.andi %and3A, %eq3A_88 : vector<16xi1>
      tpu.vector_store_idx %arg7[%add3A_62], %broadcast_in_dim3A_11 masked %and3A_89 {add = true} : memref<32768xf32, #tpu.memory_space<vmem>>[vector<16xi32>], vector<16xf32>, vector<16xi1>
      %eq3A_90 = arith.constant 7 : i32
      %eq3A_91 = vector.broadcast %eq3A_90 : i32 to vector<16xi32>
      %eq3A_92 = arith.cmpi eq, %iota3A, %eq3A_91 : vector<16xi32>
      %and3A_93 = arith.andi %and3A, %eq3A_92 : vector<16xi1>
      tpu.vector_store_idx %arg7[%add3A_62], %broadcast_in_dim3A_11 masked %and3A_93 {add = true} : memref<32768xf32, #tpu.memory_space<vmem>>[vector<16xi32>], vector<16xf32>, vector<16xi1>
      %eq3A_94 = arith.constant 8 : i32
      %eq3A_95 = vector.broadcast %eq3A_94 : i32 to vector<16xi32>
      %eq3A_96 = arith.cmpi eq, %iota3A, %eq3A_95 : vector<16xi32>
      %and3A_97 = arith.andi %and3A, %eq3A_96 : vector<16xi1>
      tpu.vector_store_idx %arg7[%add3A_62], %broadcast_in_dim3A_11 masked %and3A_97 {add = true} : memref<32768xf32, #tpu.memory_space<vmem>>[vector<16xi32>], vector<16xf32>, vector<16xi1>
      %eq3A_98 = arith.constant 9 : i32
      %eq3A_99 = vector.broadcast %eq3A_98 : i32 to vector<16xi32>
      %eq3A_100 = arith.cmpi eq, %iota3A, %eq3A_99 : vector<16xi32>
      %and3A_101 = arith.andi %and3A, %eq3A_100 : vector<16xi1>
      tpu.vector_store_idx %arg7[%add3A_62], %broadcast_in_dim3A_11 masked %and3A_101 {add = true} : memref<32768xf32, #tpu.memory_space<vmem>>[vector<16xi32>], vector<16xf32>, vector<16xi1>
      %eq3A_102 = arith.constant 10 : i32
      %eq3A_103 = vector.broadcast %eq3A_102 : i32 to vector<16xi32>
      %eq3A_104 = arith.cmpi eq, %iota3A, %eq3A_103 : vector<16xi32>
      %and3A_105 = arith.andi %and3A, %eq3A_104 : vector<16xi1>
      tpu.vector_store_idx %arg7[%add3A_62], %broadcast_in_dim3A_11 masked %and3A_105 {add = true} : memref<32768xf32, #tpu.memory_space<vmem>>[vector<16xi32>], vector<16xf32>, vector<16xi1>
      %eq3A_106 = arith.constant 11 : i32
      %eq3A_107 = vector.broadcast %eq3A_106 : i32 to vector<16xi32>
      %eq3A_108 = arith.cmpi eq, %iota3A, %eq3A_107 : vector<16xi32>
      %and3A_109 = arith.andi %and3A, %eq3A_108 : vector<16xi1>
      tpu.vector_store_idx %arg7[%add3A_62], %broadcast_in_dim3A_11 masked %and3A_109 {add = true} : memref<32768xf32, #tpu.memory_space<vmem>>[vector<16xi32>], vector<16xf32>, vector<16xi1>
      %eq3A_110 = arith.constant 12 : i32
      %eq3A_111 = vector.broadcast %eq3A_110 : i32 to vector<16xi32>
      %eq3A_112 = arith.cmpi eq, %iota3A, %eq3A_111 : vector<16xi32>
      %and3A_113 = arith.andi %and3A, %eq3A_112 : vector<16xi1>
      tpu.vector_store_idx %arg7[%add3A_62], %broadcast_in_dim3A_11 masked %and3A_113 {add = true} : memref<32768xf32, #tpu.memory_space<vmem>>[vector<16xi32>], vector<16xf32>, vector<16xi1>
      %eq3A_114 = arith.constant 13 : i32
      %eq3A_115 = vector.broadcast %eq3A_114 : i32 to vector<16xi32>
      %eq3A_116 = arith.cmpi eq, %iota3A, %eq3A_115 : vector<16xi32>
      %and3A_117 = arith.andi %and3A, %eq3A_116 : vector<16xi1>
      tpu.vector_store_idx %arg7[%add3A_62], %broadcast_in_dim3A_11 masked %and3A_117 {add = true} : memref<32768xf32, #tpu.memory_space<vmem>>[vector<16xi32>], vector<16xf32>, vector<16xi1>
      %eq3A_118 = arith.constant 14 : i32
      %eq3A_119 = vector.broadcast %eq3A_118 : i32 to vector<16xi32>
      %eq3A_120 = arith.cmpi eq, %iota3A, %eq3A_119 : vector<16xi32>
      %and3A_121 = arith.andi %and3A, %eq3A_120 : vector<16xi1>
      tpu.vector_store_idx %arg7[%add3A_62], %broadcast_in_dim3A_11 masked %and3A_121 {add = true} : memref<32768xf32, #tpu.memory_space<vmem>>[vector<16xi32>], vector<16xf32>, vector<16xi1>
      %eq3A_122 = arith.constant 15 : i32
      %eq3A_123 = vector.broadcast %eq3A_122 : i32 to vector<16xi32>
      %eq3A_124 = arith.cmpi eq, %iota3A, %eq3A_123 : vector<16xi32>
      %and3A_125 = arith.andi %and3A, %eq3A_124 : vector<16xi1>
      tpu.vector_store_idx %arg7[%add3A_62], %broadcast_in_dim3A_11 masked %and3A_125 {add = true} : memref<32768xf32, #tpu.memory_space<vmem>>[vector<16xi32>], vector<16xf32>, vector<16xi1>
      %scan3A_126 = arith.constant 0 : i32
      scf.yield %scan3A_126 : i32
    }
    %scan3A_18 = arith.constant 1000 : i32
    %add3A_19 = arith.constant 0 : i32
    %add3A_20 = vector.broadcast %add3A_19 : i32 to vector<16xi32>
    %add3A_21 = arith.addi %iota3A, %add3A_20 : vector<16xi32>
    %add3A_22 = vector.broadcast %mul3A_2 : i32 to vector<16xi32>
    %add3A_23 = arith.addi %add3A_21, %add3A_22 : vector<16xi32>
    %mul3A_24 = arith.constant 1024 : i32
    %mul3A_25 = vector.broadcast %mul3A_24 : i32 to vector<16xi32>
    %mul3A_26 = arith.muli %add3A_21, %mul3A_25 : vector<16xi32>
    %add3A_27 = arith.addi %mul3A_26, %add3A_23 : vector<16xi32>
    %lt3A = arith.constant 1000 : i32
    %lt3A_28 = vector.broadcast %lt3A : i32 to vector<16xi32>
    %lt3A_29 = arith.cmpi slt, %add3A_23, %lt3A_28 : vector<16xi32>
    tpu.vector_store_idx %arg7[%add3A_27], %broadcast_in_dim3A_11 masked %lt3A_29 {add = true} : memref<32768xf32, #tpu.memory_space<vmem>>[vector<16xi32>], vector<16xf32>, vector<16xi1>
    %add3A_30 = arith.constant 16 : i32
    %add3A_31 = vector.broadcast %add3A_30 : i32 to vector<16xi32>
    %add3A_32 = arith.addi %iota3A, %add3A_31 : vector<16xi32>
    %add3A_33 = vector.broadcast %mul3A_2 : i32 to vector<16xi32>
    %add3A_34 = arith.addi %add3A_32, %add3A_33 : vector<16xi32>
    %mul3A_35 = arith.constant 1024 : i32
    %mul3A_36 = vector.broadcast %mul3A_35 : i32 to vector<16xi32>
    %mul3A_37 = arith.muli %add3A_32, %mul3A_36 : vector<16xi32>
    %add3A_38 = arith.addi %mul3A_37, %add3A_34 : vector<16xi32>
    %lt3A_39 = arith.constant 1000 : i32
    %lt3A_40 = vector.broadcast %lt3A_39 : i32 to vector<16xi32>
    %lt3A_41 = arith.cmpi slt, %add3A_34, %lt3A_40 : vector<16xi32>
    tpu.vector_store_idx %arg7[%add3A_38], %broadcast_in_dim3A_11 masked %lt3A_41 {add = true} : memref<32768xf32, #tpu.memory_space<vmem>>[vector<16xi32>], vector<16xf32>, vector<16xi1>
    %mul3A_42 = arith.constant 32768 : i32
    %mul3A_43 = arith.muli %add3A, %mul3A_42 : i32
    "tpu.region"() ({
      %run_scoped3A = tpu.sem_alloc : memref<!tpu.dma_semaphore, #tpu.memory_space<semaphore_mem>>
      %dma_start3A = tpu.memref_slice %arg4[%mul3A_43] : memref<1048576xf32, #tpu.memory_space<hbm>> -> memref<32768xf32, #tpu.memory_space<hbm>>
      %dma_start3A_44 = tpu.memref_slice %arg4[%mul3A_43] : memref<1048576xf32, #tpu.memory_space<hbm>> -> memref<32768xf32, #tpu.memory_space<hbm>>
      tpu.enqueue_dma source(%arg7 : memref<32768xf32, #tpu.memory_space<vmem>>) target(%dma_start3A_44 : memref<32768xf32, #tpu.memory_space<hbm>>) target_semaphore(%run_scoped3A : memref<!tpu.dma_semaphore, #tpu.memory_space<semaphore_mem>>)
      %dma_wait3A = tpu.memref_slice %arg4[%mul3A_43] : memref<1048576xf32, #tpu.memory_space<hbm>> -> memref<32768xf32, #tpu.memory_space<hbm>>
      %dma_wait3A_45 = tpu.memref_slice %arg4[%mul3A_43] : memref<1048576xf32, #tpu.memory_space<hbm>> -> memref<32768xf32, #tpu.memory_space<hbm>>
      tpu.wait_dma2 semaphore(%run_scoped3A : memref<!tpu.dma_semaphore, #tpu.memory_space<semaphore_mem>>) src(%arg7 : memref<32768xf32, #tpu.memory_space<vmem>>) dst(%dma_wait3A_45 : memref<32768xf32, #tpu.memory_space<hbm>>)
      tpu.yield
    }) : () -> ()
    return
  }
}

</mosaic_0001>

<sc_bundles>
// kernel: _sc_counts.3.cloned.1.call-start
scs
__scs_entry_jumppad:
0x0: {  	(pc) =	sbr.rel $0x88, $3  }
0x1: {  	(tag) =	ssettag $0x0;
	lr =	simm.s32 $0x1  }
0x2: {  	[smem:$0x3F9F] =	sst lr;
	_ =	strace $0xD0000000  }
0x3: {  	_ = 	snop  }
0x4: {  	_ = 	snop  }
0x5: {  	_ = 	snop  }
0x6: {  	_ = 	snop  }
0x7: {  	_ = 	snop  }
__scs_overlays_trampoline_lowered:
0x8: {  	[smem:$0x3FAE] =	sst s0  }
0x9: {  	[smem:$0x3FAF] =	sst s1  }
0xa: {  	[smem:$0x3FB0] =	sst s2  }
0xb: {  	[smem:$0x3FB1] =	sst s3  }
0xc: {  	[smem:$0x3FB2] =	sst s4  }
0xd: {  	[smem:$0x3FB3] =	sst s5  }
0xe: {  	[smem:$0x3FB4] =	sst s6  }
0xf: {  	[smem:$0x3FB5] =	sst s7  }
0x10: {  	[smem:$0x3FB6] =	sst s8  }
0x11: {  	[smem:$0x3FB7] =	sst s9;
	s0 =	simm.s32 @!p0 $0x0  }
0x12: {  	s1 =	sld [smem:$0x3F9D];
	s0 =	simm.s32 @p0 $0x1  }
0x13: {  	[smem:$0x3FB8] =	sst s0;
	s0 =	simm.s32 @!p1 $0x0  }
0x14: {  	s2 =	sld [smem:$0x3F9C];
	s0 =	simm.s32 @p1 $0x1  }
0x15: {  	[smem:$0x3FB9] =	sst s0;
	s0 =	simm.s32 @!p2 $0x0  }
0x16: {  	s3 =	sld [smem:$0x3FDB];
	s0 =	simm.s32 @p2 $0x1  }
0x17: {  	s4 =	simm.s32 $0x1BF5;
	[smem:$0x3FBB] =	sst s0  }
0x18: {  	s0 =	sld [smem:$0x3F9E];
	_ =	swait.ge [sflag:s4], $0x0  }
0x19: {  	s7 =	sld [smem:$0x3F9F]  }
0x1a: {  	s8 =	sadd.s32 $0xFFFFE003, lr  }
0x1b: {  	s9 =	sadd.s32 $0xFFFFFEF7, lr;
	s5 =	simm.s32 $0xFFFFFFFF;
	p2 =	slt.u32 s8, $0xFFFFF086  }
0x1c: {  	p1 =	slt.u32 s9, $0xF7A;
	s5 =	simm.s32 @!p2 $0x0  }
0x1d: {  	s5 =	simm.s32 @p1 $0x1;
	p0 =	seq.s32 s7, s2  }
0x1e: {  	s7 =	smul.u32 @!p0 $0xF7A, s2;
	p2 =	seq.s32 @!p0 s5, $0x0  }
0x1f: {  	s9 =	smul.u32 $0xF7A, s1;
	s8 =	simm.s32 @!p0 $0x1BF5;
	p2 =	por !p2, p0  }
0x20: {  	[sflag:s8] =	ssyncset.s32 @!p0 $0xFFFFF086;
	s6 =	sadd.s32 @!p0 s3, s7;
	s7 =	simm.s32 @!p0 $0x108  }
0x21: {  	s3 =	sadd.s32 s3, s9;
	s6 =	sadd.s32 @!p0 $0x88, s6;
	s7 =	simm.s32 @p2 $0x1082  }
0x22: {  	[simem:s7], [sflag:s8] =	dma.local @!p0 [hbm:s6], $0xF7A  }
0x23: {  	s9 =	sor.u32 $0xD0000000, s2;
	s6 =	simm.s32 $0x108;
	_ =	swait.ge @!p0 [sflag:s8], $0x0  }
0x24: {  	s3 =	sadd.s32 $0x88, s3;
	s6 =	simm.s32 @!p1 $0x1082;
	[sflag:s4] =	ssyncset.s32 $0xFFFFF086  }
0x25: {  	[simem:s6], [sflag:s4] =	dma.local [hbm:s3], $0xF7A  }
0x26: {  	[smem:$0x3F9F] =	sst s1;
	(tag) =	ssettag s2;
	_ =	strace s9  }
0x27: {  	s1 =	sld [smem:$0x3FAF]  }
0x28: {  	s2 =	sld [smem:$0x3FB0]  }
0x29: {  	s4 =	sld [smem:$0x3FB2]  }
0x2a: {  	p0 =	seq.s32 s5, $0x0;
	s5 =	sld [smem:$0x3FB3]  }
0x2b: {  	s6 =	sld [smem:$0x3FB4]  }
0x2c: {  	s7 =	sld [smem:$0x3FB5]  }
0x2d: {  	s3 =	simm.s32 $0x108;
	s8 =	sld [smem:$0x3FB6]  }
0x2e: {  	s3 =	simm.s32 @!p0 $0x1082;
	s9 =	sld [smem:$0x3FB7]  }
0x2f: {  	lr =	sadd.s32 s0, s3;
	s0 =	sld [smem:$0x3FAE]  }
0x30: {  	s3 =	sld [smem:$0x3FB1]  }
0x31: {  	[smem:$0x3FBA] =	sst s10  }
0x32: {  	s10 =	sld [smem:$0x3FB8];
	_ =	sdelay $0x3  }
0x33: {  	p0 =	seq.s32 s10, $0x1;
	s10 =	sld [smem:$0x3FBA];
	_ =	sdelay $0x3  }
0x34: {  	[smem:$0x3FBA] =	sst s10  }
0x35: {  	s10 =	sld [smem:$0x3FB9];
	_ =	sdelay $0x3  }
0x36: {  	p1 =	seq.s32 s10, $0x1;
	s10 =	sld [smem:$0x3FBA];
	_ =	sdelay $0x3  }
0x37: {  	[smem:$0x3FBA] =	sst s10  }
0x38: {  	s10 =	sld [smem:$0x3FBB]  }
0x39: {  	_ = 	snop;
	(pc) =	sbr.ind lr, $3  }
0x3a: {  	_ = 	snop  }
0x3b: {  	_ = 	snop  }
0x3c: {  	p2 =	seq.s32 s10, $0x1;
	s10 =	sld [smem:$0x3FBA]  }
0x3d: {  	_ =	shalt  }
0x3e: {  	_ =	shalt  }
0x3f: {  	_ =	shalt  }
0x40: {  	_ =	shalt  }
0x41: {  	_ =	shalt  }
0x42: {  	_ =	shalt  }
0x43: {  	_ =	shalt  }
0x44: {  	_ =	shalt  }
0x45: {  	_ =	shalt  }
0x46: {  	_ =	shalt  }
0x47: {  	_ =	shalt  }
0x48: {  	_ =	shalt  }
0x49: {  	_ =	shalt  }
0x4a: {  	_ =	shalt  }
0x4b: {  	_ =	shalt  }
0x4c: {  	_ =	shalt  }
0x4d: {  	_ =	shalt  }
0x4e: {  	_ =	shalt  }
0x4f: {  	_ =	shalt  }
0x50: {  	_ =	shalt  }
0x51: {  	_ =	shalt  }
0x52: {  	_ =	shalt  }
0x53: {  	_ =	shalt  }
0x54: {  	_ =	shalt  }
0x55: {  	_ =	shalt  }
0x56: {  	_ =	shalt  }
0x57: {  	_ =	shalt  }
0x58: {  	_ =	shalt  }
0x59: {  	_ =	shalt  }
0x5a: {  	_ =	shalt  }
0x5b: {  	_ =	shalt  }
0x5c: {  	_ =	shalt  }
0x5d: {  	_ =	shalt  }
0x5e: {  	_ =	shalt  }
0x5f: {  	_ =	shalt  }
0x60: {  	_ =	shalt  }
0x61: {  	_ =	shalt  }
0x62: {  	_ =	shalt  }
0x63: {  	_ =	shalt  }
0x64: {  	_ =	shalt  }
0x65: {  	_ =	shalt  }
0x66: {  	_ =	shalt  }
0x67: {  	_ =	shalt  }
0x68: {  	_ =	shalt  }
0x69: {  	_ =	shalt  }
0x6a: {  	_ =	shalt  }
0x6b: {  	_ =	shalt  }
0x6c: {  	_ =	shalt  }
0x6d: {  	_ =	shalt  }
0x6e: {  	_ =	shalt  }
0x6f: {  	_ =	shalt  }
0x70: {  	_ =	shalt  }
0x71: {  	_ =	shalt  }
0x72: {  	_ =	shalt  }
0x73: {  	_ =	shalt  }
0x74: {  	_ =	shalt  }
0x75: {  	_ =	shalt  }
0x76: {  	_ =	shalt  }
0x77: {  	_ =	shalt  }
0x78: {  	_ =	shalt  }
0x79: {  	_ =	shalt  }
0x7a: {  	_ =	shalt  }
0x7b: {  	_ =	shalt  }
0x7c: {  	_ =	shalt  }
0x7d: {  	_ =	shalt  }
0x7e: {  	_ =	shalt  }
0x7f: {  	_ =	shalt  }
0x80: {  	_ =	shalt  }
0x81: {  	_ =	shalt  }
0x82: {  	_ =	shalt  }
0x83: {  	_ =	shalt  }
0x84: {  	_ =	shalt  }
0x85: {  	_ =	shalt  }
0x86: {  	_ =	shalt  }
0x87: {  	_ =	shalt  }
.Lfunc_end0:
.L_simem_size_0:
called_computation_lowered:
.L_overlay_start_0:
0x88: {  	s2 =	sld [smem:$0x3FD9]  }
0x89: {  	s3 =	sld [smem:$0x3FFE];
	_ =	sdelay $0x1  }
0x8a: {  	s1 =	srdreg.scid  }
0x8b: {  	s0 =	sand.u32 $0x1, s1  }
0x8c: {  	s17 =	sshll.u32 s0, $0xA;
	s2 =	sadd.s32 s3, s2  }
0x8d: {  	s2 =	sadd.s32 s2, s17  }
0x8e: {  	[smem:$0x3FC6] =	sst s2  }
0x8f: {  	_ = 	snop  }
0x90: {  	s2 =	sld [smem:$0x3FC9]  }
0x91: {  	s18 =	sld [smem:$0x3FC8];
	(tm) =	ssettm $0x1  }
0x92: {  	s4 =	sld [smem:$0x3FFB];
	_ =	sdelay $0x3  }
0x93: {  	_ =	strace s4  }
0x94: {  	s4 =	sld [smem:$0x3FFC];
	_ =	sdelay $0x3  }
0x95: {  	_ =	strace s4  }
0x96: {  	s4 =	sld [smem:$0x3FFD];
	_ =	sdelay $0x3  }
0x97: {  	_ =	strace s4  }
0x98: {  	_ =	strace $0x8FFFFFFF  }
0x99: {  	s19 =	sld [smem:$0x3FDB];
	_ =	sdelay $0x1  }
0x9a: {  	s5 =	simm.s32 $_scs_section_size  }
0x9b: {  	s6 =	simm.s32 $_size__tile_overlayer_lowered;
	s7 =	simm.s32 $_tile_overlayer_lowered  }
0x9c: {  	s22 =	simm.s32 $0x1BFF;
	s21 =	sshll.u32 s7, $0x1;
	s4 =	sadd.s32 s5, s19  }
0x9d: {  	s8 =	simm.s32 $0x0;
	s20 =	sshll.u32 s6, $0x1;
	s6 =	sadd.s32 s21, s4  }
0x9e: {  	[timem:s8], [sflag:s22] =	dma.local [hbm:s6], s20  }
0x9f: {  	_ =	swait.ge [sflag:s22], s20  }
0xa0: {  	s5 =	ssub.s32 $0x0, s20;
	[sflag:s22] =	ssyncset.done $0x0  }
0xa1: {  	[sflag:s22] =	ssyncadd.s32 s5;
	_ =	sdelay $0x1  }
0xa2: {  	s23 =	simm.s32 $0x1B8B  }
0xa3: {  	_ =	swait.ge [sflag:s23], $0x1  }
0xa4: {  	[sflag:s23] =	ssyncset.done $0x0  }
0xa5: {  	s25 =	simm.s32 $0x1B8E;
	s24 =	sld [smem:$0x3FFE];
	[sflag:s23] =	ssyncadd.s32 $0xFFFFFFFF  }
0xa6: {  	s26 =	simm.s32 $execute0_lowered;
	[smem:$0x3FD2] =	sst s25  }
0xa7: {  	s6 =	sshll.u32 s26, $0x1;
	_ =	strace $0x80000046;
	[dreg:$0x1] =	wrdreg $0xFFFFFFFF  }
0xa8: {  	s28 =	simm.s32 $_size_execute0_lowered;
	s4 =	sadd.s32 s4, s6;
	[dreg:$0x0] =	wrdreg $0x0  }
0xa9: {  	s6 =	sshll.u32 s28, $0x1;
	[dreg:$0x2] =	wrdreg s4  }
0xaa: {  	[dreg:$0x3] =	wrdreg s6  }
0xab: {  	[dreg:$0x4] =	wrdreg $0xC0  }
0xac: {  	_ =	task [dreg:s8], $0x5FFFF  }
0xad: {  	[dreg:$0x1] =	wrdreg $0xFFFFFFFF  }
0xae: {  	[dreg:$0x0] =	wrdreg $0x60  }
0xaf: {  	[dreg:$0x2] =	wrdreg s2  }
0xb0: {  	[dreg:$0x3] =	wrdreg s18  }
0xb1: {  	[dreg:$0x4] =	wrdreg s24  }
0xb2: {  	[dreg:$0x5] =	wrdreg $0x9  }
0xb3: {  	_ =	task.clear_ibuf [dreg:s8], $0x6FFFF;
	_ =	strace $0x90000046  }
0xb4: {  	s29 =	simm.s32 $0x9;
	_ =	strace $0x80000048  }
0xb5: {  	_ =	swait.ge [sflag:s29], $0x1  }
0xb6: {  	[sflag:s29] =	ssyncadd.s32 $0xFFFFFFFF  }
0xb7: {  	_ =	strace $0x90000048  }
0xb8: {  	_ =	sfence  }
0xb9: {  	s30 =	sld [smem:$0x0];
	_ =	sdelay $0x2  }
0xba: {  	s31 =	sshll.u32 s1, $0xD;
	s1 =	sshrl.u32 s1, $0x2  }
0xbb: {  	s3 =	sand.u32 $0x4000, s31;
	s1 =	sadd.s32 s1, s30  }
0xbc: {  	s0 =	sor.u32 s3, s0;
	s1 =	sshll.u32 s1, $0x11  }
0xbd: {  	s0 =	sor.u32 s1, s0  }
0xbe: {  	s0 =	sadd.s32 $0x8F2B, s0  }
0xbf: {  	[sflag:s0] =	ssyncadd.remote.s32 $0x1  }
0xc0: {  	_ =	sfence.sel $0xFFFF  }
0xc1: {  	[dreg:$0x0] =	wrdreg $0xFFFFFFFF;
	(pc) =	sbr.abs _section_cstart, $3  }
0xc2: {  	[dreg:$0x1] =	wrdreg $0xFFFFFFFF  }
0xc3: {  	_ =	task.clear_ibuf [dreg:s8], $0x2FFFF;
	_ =	strace $0x9FFFFFFF  }
0xc4: {  	(tm) =	ssettm $0x7FFFFFFF  }
0xc5: {  	_ =	shalt  }
tec
execute0_lowered:
.L_overlay_start_1:
0x0: {  	(tag) =	ssettag $0x1  }
0x1: {  	s1 =	srdreg.scid;
	s0 =	stileid.u32  }
0x2: {  	v2 =	vlaneseq.u32;
	vm0 =	vmmov $0x1;
	s5 =	sand.u32 $0x1, s1;
	s30 =	sshll.u32 s0, $0x1  }
0x3: {  	vm9 =	vcmask $0xB08;
	vm10 =	vcmask $0xF0C;
	vm11 =	vcmask $0x1310;
	s6 =	sor.u32 s5, s30  }
0x4: {  	vm12 =	vcmask $0x1714;
	vm14 =	vcmask $0x1F1C;
	v3 =	vmul.u32 $0x400, v2;
	s1 =	sshll.u32 s6, $0x5  }
0x5: {  	vm15 =	vcmask $0x2320;
	vm13 =	vcmask $0x2724;
	v0 =	vmov s1  }
0x6: {  	v6 =	vor.u32 s1, v2;
	v4 =	vor.u32 s1, v3;
	v2 =	vor.u32 $0x10, v2  }
0x7: {  	s7 =	rddreg [dreg:$0x2];
	v3 =	vor.u32 $0x4000, v3;
	v4 =	vand.u32 $0x7FFFFF80, v4;
	v5 =	vand.u32 $0x6F, v6  }
0x8: {  	s3 =	rddreg [dreg:$0x3];
	s4 =	simm.s32 $0x0;
	s9 =	simm.s32 $0x7D00;
	v7 =	vor.u32 s1, v2;
	v3 =	vor.u32 s1, v3;
	v2 =	vor.u32 v5, v4  }
0x9: {  	s10 =	simm.s32 $0x0;
	[smem:$0x7FF] =	sst s4;
	s5 =	ssub.s32 $0x2, s5;
	v3 =	vand.u32 $0x7FFFFF80, v3;
	v4 =	vand.u32 $0x7F, v7;
	v5 =	vimm.s32 $0x0  }
0xa: {  	s6 =	sshll.u32 s6, $0xC;
	s8 =	sshrl.u32 s5, $0x1;
	s2 =	sadd.s32 $0x20, s1;
	vm1 =	vlt.u32 v7, $0x3E8;
	v7 =	vimm.s32 $0x0;
	v5 =	vsel vm0, $0xFFFFFFFF, v5  }
0xb: {  	s6 =	sadd.s32 s6, s7;
	s31 =	ssub.s32 s5, s8;
	s1 =	rddreg [dreg:$0x0];
	v7 =	vsel vm1, $0xFFFFFFFF, v7;
	vm1 =	vlt.u32 v6, $0x3E8;
	v6 =	vimm.s32 $0x0;
	[tilespmem:$0x1FFD0] =	vst v5  }
0xc: {  	s7 =	simm.s32 $0x1;
	v1 =	vmov s2;
	s2 =	rddreg [dreg:$0x1];
	v3 =	vor.u32 v4, v3;
	v6 =	vsel vm1, $0xFFFFFFFF, v6;
	_ =	strace $0x80000047;
	[tilespmem:$0x1FFE0] =	vst v7  }
0xd: {  	s8 =	simm.s32 $0x3E80;
	s5 =	sadd.s32 $0x400, s6;
	s6 =	smax.u32 s31, $0x1;
	v4 =	vimm.f32 $0.0e+00;
	vm0 =	vcmask $0x3F3C;
	v5 =	vimm.f32 $1.000000000e+00;
	[tilespmem:$0x1FFF0] =	vst v6  }
.LBB2_1:
0xe: {  	[tilespmem:s4], [sflag:$0x1] =	stream.linear.gather [hbm4b:s1+s4], $0x3E80, $0x38;
	[tilespmem:$0xFD00] =	vst v63  }
0xf: {  	_ =	swait.ge [sflag:s7], $0x3E80  }
0x10: {  	[sflag:s7] =	ssyncset.done $0x0  }
0x11: {  	[sflag:s7] =	ssyncadd.s32 $0xFFFFC180  }
0x12: {  	[tilespmem:s8], [sflag:$0x1] =	stream.linear.gather [hbm4b:s2+s4], $0x3E80, $0x38;
	[tilespmem:$0xFD00] =	vst v63  }
0x13: {  	_ =	swait.ge [sflag:s7], $0x3E80  }
0x14: {  	[sflag:s7] =	ssyncset.done $0x0  }
0x15: {  	vm3 =	vmmov vm13;
	s11 =	simm.s32 $0x0;
	[sflag:s7] =	ssyncadd.s32 $0xFFFFC180  }
.LBB2_2:
0x16: {  	p0 =	sne.s32 s11, $0x1FFC0  }
.Ltmp0:
0x17: {  	_ = 	snop;
	(pc) =	sbr.rel @p0 .LBB2_2-.Ltmp0, $3  }
0x18: {  	_ =	sdelay $0x1  }
0x19: {  	s12 =	sshra.s32 s11, $0x2  }
0x1a: {  	s11 =	sadd.s32 $0x40, s11;
	[tilespmem:s12+$0x7D00] =	vst v4  }
0x1b: {  	s11 =	simm.s32 $0x0  }
0x1c: {  	v6 =	vld [tilespmem:s11+$0x3E80];
	_ =	sdelay $0x1  }
0x1d: {  	v7 =	vld [tilespmem:s11+$0x0];
	_ =	sdelay $0x2  }
0x1e: {  	vm2 =	vge.s32 v6, v0;
	vm1 =	vlt.s32 v6, v1;
	v6 =	vsub.s32 v6, v0  }
0x1f: {  	v6 =	vshll.u32 v6, $0xA  }
0x20: {  	vm1 =	vmand vm2, vm1;
	vm2 =	vcmask $0x704;
	v6 =	vadd.s32 v7, v6  }
0x21: {  	v8 =	vld [tilespmem:$0x1FFD0];
	vm6 =	vmand vm1, vm2;
	vm2 =	vmand vm1, vm10;
	v7 =	vimm.s32 $0x0  }
0x22: {  	v7 =	vsel vm2, $0xFFFFFFFF, v7  }
0x23: {  	vm2 =	vmand vm1, vm11;
	[tilespmem:$0x1FFA0] =	vst v7;
	v7 =	vimm.s32 $0x0  }
0x24: {  	v7 =	vsel vm2, $0xFFFFFFFF, v7  }
0x25: {  	[tilespmem:$0x1FFB0] =	vst v7;
	v7 =	vld [tilespmem:$0x1FFA0]  }
0x26: {  	vm8 =	vnez.u8 v8  }
0x27: {  	vm5 =	vmand vm1, vm8;
	_ =	sdelay $0x1  }
0x28: {  	vm7 =	vmand vm1, vm9  }
0x29: {  	vm2 =	vnez.u8 v7  }
0x2a: {  	v7 =	vld [tilespmem:$0x1FFB0];
	_ =	sdelay $0x1  }
0x2b: {  	[tilespmem:v6+s9+$0x0] =	vst.idx.add.f32.msk vm5, v5  }
0x2c: {  	[tilespmem:v6+s9+$0x0] =	vst.idx.add.f32.msk vm6, v5  }
0x2d: {  	[tilespmem:v6+s9+$0x0] =	vst.idx.add.f32.msk vm7, v5  }
0x2e: {  	[tilespmem:v6+s9+$0x0] =	vst.idx.add.f32.msk vm2, v5;
	vm2 =	vnez.u8 v7;
	_ =	sdelay $0x5  }
0x2f: {  	vm13 =	vcmask $0x1B18;
	vm4 =	vmand vm1, vm12;
	[tilespmem:v6+s9+$0x0] =	vst.idx.add.f32.msk vm2, v5;
	vm2 =	vcmask $0x2B28  }
0x30: {  	vm5 =	vmand vm1, vm13;
	v7 =	vimm.s32 $0x0;
	vm2 =	vmand vm1, vm2  }
0x31: {  	vm6 =	vmand vm1, vm14;
	v7 =	vsel vm2, $0xFFFFFFFF, v7  }
0x32: {  	vm7 =	vmand vm1, vm15;
	[tilespmem:$0x1FFC0] =	vst v7  }
0x33: {  	v7 =	vld [tilespmem:$0x1FFC0]  }
0x34: {  	vm2 =	vcmask $0x2F2C  }
0x35: {  	[tilespmem:v6+s9+$0x0] =	vst.idx.add.f32.msk vm4, v5;
	vm4 =	vmand vm1, vm2;
	vm2 =	vcmask $0x3330  }
0x36: {  	vm13 =	vmmov vm3;
	[tilespmem:v6+s9+$0x0] =	vst.idx.add.f32.msk vm5, v5;
	vm5 =	vmand vm1, vm2;
	vm2 =	vcmask $0x3734  }
0x37: {  	vm3 =	vmand vm1, vm3;
	[tilespmem:v6+s9+$0x0] =	vst.idx.add.f32.msk vm6, v5;
	vm6 =	vmand vm1, vm2;
	vm2 =	vcmask $0x3B38  }
0x38: {  	[tilespmem:v6+s9+$0x0] =	vst.idx.add.f32.msk vm7, v5;
	vm7 =	vmand vm1, vm2;
	vm2 =	vnez.u8 v7;
	_ =	sdelay $0x4  }
0x39: {  	[tilespmem:v6+s9+$0x0] =	vst.idx.add.f32.msk vm3, v5  }
0x3a: {  	vm1 =	vmand vm1, vm0;
	[tilespmem:v6+s9+$0x0] =	vst.idx.add.f32.msk vm2, v5  }
0x3b: {  	[tilespmem:v6+s9+$0x0] =	vst.idx.add.f32.msk vm4, v5  }
0x3c: {  	[tilespmem:v6+s9+$0x0] =	vst.idx.add.f32.msk vm5, v5  }
0x3d: {  	[tilespmem:v6+s9+$0x0] =	vst.idx.add.f32.msk vm6, v5  }
0x3e: {  	s12 =	simm.s32 $0x80;
	s11 =	simm.s32 $0x40;
	[tilespmem:v6+s9+$0x0] =	vst.idx.add.f32.msk vm7, v5  }
.LBB2_4:
0x3f: {  	p0 =	sne.s32 s12, $0xF9C0  }
0x40: {  	s13 =	sshra.s32 s11, $0x2;
	[tilespmem:v6+s9+$0x0] =	vst.idx.add.f32.msk vm1, v5;
	s11 =	smov.u32 s12;
	s12 =	sadd.s32 $0x40, s12  }
0x41: {  	v6 =	vld [tilespmem:s13+$0x3E80];
	_ =	sdelay $0x2  }
0x42: {  	v7 =	vld [tilespmem:s13+$0x0];
	_ =	sdelay $0x1  }
0x43: {  	v8 =	vsub.s32 v6, v0;
	vm1 =	vge.s32 v6, v0;
	vm2 =	vlt.s32 v6, v1  }
0x44: {  	vm1 =	vmand vm1, vm2;
	v6 =	vshll.u32 v8, $0xA  }
0x45: {  	vm3 =	vcmask $0x704;
	vm2 =	vmand vm1, vm8  }
0x46: {  	vm3 =	vmand vm1, vm3;
	v6 =	vadd.s32 v7, v6  }
0x47: {  	vm4 =	vmand vm1, vm9  }
0x48: {  	vm5 =	vmand vm1, vm10  }
0x49: {  	vm6 =	vmand vm1, vm11  }
0x4a: {  	vm7 =	vmand vm1, vm12  }
0x4b: {  	[tilespmem:v6+s9+$0x0] =	vst.idx.add.f32.msk vm2, v5;
	vm2 =	vcmask $0x1B18  }
0x4c: {  	vm2 =	vmand vm1, vm2  }
0x4d: {  	[tilespmem:v6+s9+$0x0] =	vst.idx.add.f32.msk vm3, v5;
	vm3 =	vmand vm1, vm14  }
0x4e: {  	[tilespmem:v6+s9+$0x0] =	vst.idx.add.f32.msk vm4, v5;
	vm4 =	vmand vm1, vm15  }
0x4f: {  	[tilespmem:v6+s9+$0x0] =	vst.idx.add.f32.msk vm5, v5;
	vm5 =	vmand vm1, vm13  }
0x50: {  	[tilespmem:v6+s9+$0x0] =	vst.idx.add.f32.msk vm6, v5;
	vm6 =	vcmask $0x2B28  }
0x51: {  	vm6 =	vmand vm1, vm6  }
0x52: {  	[tilespmem:v6+s9+$0x0] =	vst.idx.add.f32.msk vm7, v5;
	vm7 =	vcmask $0x2F2C  }
0x53: {  	vm7 =	vmand vm1, vm7  }
0x54: {  	[tilespmem:v6+s9+$0x0] =	vst.idx.add.f32.msk vm2, v5;
	vm2 =	vcmask $0x3330  }
0x55: {  	vm2 =	vmand vm1, vm2  }
0x56: {  	[tilespmem:v6+s9+$0x0] =	vst.idx.add.f32.msk vm3, v5;
	vm3 =	vcmask $0x3734  }
0x57: {  	vm3 =	vmand vm1, vm3  }
0x58: {  	[tilespmem:v6+s9+$0x0] =	vst.idx.add.f32.msk vm4, v5;
	vm4 =	vcmask $0x3B38  }
0x59: {  	vm4 =	vmand vm1, vm4  }
0x5a: {  	vm1 =	vmand vm1, vm0;
	[tilespmem:v6+s9+$0x0] =	vst.idx.add.f32.msk vm5, v5  }
.Ltmp1:
0x5b: {  	[tilespmem:v6+s9+$0x0] =	vst.idx.add.f32.msk vm6, v5;
	(pc) =	sbr.rel @p0 .LBB2_4-.Ltmp1, $4  }
0x5c: {  	[tilespmem:v6+s9+$0x0] =	vst.idx.add.f32.msk vm7, v5  }
0x5d: {  	[tilespmem:v6+s9+$0x0] =	vst.idx.add.f32.msk vm2, v5  }
0x5e: {  	[tilespmem:v6+s9+$0x0] =	vst.idx.add.f32.msk vm3, v5;
	vm3 =	vcmask $0x704  }
0x5f: {  	[tilespmem:v6+s9+$0x0] =	vst.idx.add.f32.msk vm4, v5  }
0x60: {  	_ =	sdelay $0x4  }
0x61: {  	s11 =	sshra.s32 s11, $0x2;
	[tilespmem:v6+s9+$0x0] =	vst.idx.add.f32.msk vm1, v5  }
0x62: {  	v6 =	vld [tilespmem:s11+$0x3E80];
	_ =	sdelay $0x2  }
0x63: {  	v7 =	vld [tilespmem:s11+$0x0];
	_ =	sdelay $0x1  }
0x64: {  	vm1 =	vge.s32 v6, v0;
	vm2 =	vlt.s32 v6, v1  }
0x65: {  	v6 =	vsub.s32 v6, v0;
	vm1 =	vmand vm1, vm2  }
0x66: {  	v6 =	vshll.u32 v6, $0xA;
	vm2 =	vmand vm1, vm8  }
0x67: {  	v6 =	vadd.s32 v7, v6  }
0x68: {  	vm3 =	vmand vm1, vm3  }
0x69: {  	vm4 =	vmand vm1, vm9  }
0x6a: {  	vm5 =	vmand vm1, vm10  }
0x6b: {  	vm6 =	vmand vm1, vm11  }
0x6c: {  	vm7 =	vmand vm1, vm12;
	[tilespmem:v6+s9+$0x0] =	vst.idx.add.f32.msk vm2, v5;
	vm2 =	vcmask $0x1B18  }
0x6d: {  	vm2 =	vmand vm1, vm2  }
0x6e: {  	[tilespmem:v6+s9+$0x0] =	vst.idx.add.f32.msk vm3, v5;
	vm3 =	vmand vm1, vm14  }
0x6f: {  	[tilespmem:v6+s9+$0x0] =	vst.idx.add.f32.msk vm4, v5;
	vm4 =	vmand vm1, vm15  }
0x70: {  	[tilespmem:v6+s9+$0x0] =	vst.idx.add.f32.msk vm5, v5  }
0x71: {  	vm5 =	vmand vm1, vm13;
	[tilespmem:v6+s9+$0x0] =	vst.idx.add.f32.msk vm6, v5;
	vm6 =	vcmask $0x2B28  }
0x72: {  	vm6 =	vmand vm1, vm6;
	[tilespmem:v6+s9+$0x0] =	vst.idx.add.f32.msk vm7, v5;
	vm7 =	vcmask $0x2F2C  }
0x73: {  	vm7 =	vmand vm1, vm7;
	[tilespmem:v6+s9+$0x0] =	vst.idx.add.f32.msk vm2, v5;
	vm2 =	vcmask $0x3330  }
0x74: {  	vm2 =	vmand vm1, vm2;
	[tilespmem:v6+s9+$0x0] =	vst.idx.add.f32.msk vm3, v5;
	vm3 =	vcmask $0x3734  }
0x75: {  	vm3 =	vmand vm1, vm3;
	[tilespmem:v6+s9+$0x0] =	vst.idx.add.f32.msk vm4, v5;
	vm4 =	vcmask $0x3B38  }
0x76: {  	vm4 =	vmand vm1, vm4  }
0x77: {  	[tilespmem:v6+s9+$0x0] =	vst.idx.add.f32.msk vm5, v5;
	vm1 =	vmand vm1, vm0  }
0x78: {  	[tilespmem:v6+s9+$0x0] =	vst.idx.add.f32.msk vm6, v5  }
0x79: {  	[tilespmem:v6+s9+$0x0] =	vst.idx.add.f32.msk vm7, v5  }
0x7a: {  	[tilespmem:v6+s9+$0x0] =	vst.idx.add.f32.msk vm2, v5  }
0x7b: {  	[tilespmem:v6+s9+$0x0] =	vst.idx.add.f32.msk vm3, v5  }
0x7c: {  	[tilespmem:v6+s9+$0x0] =	vst.idx.add.f32.msk vm4, v5  }
0x7d: {  	[tilespmem:v6+s9+$0x0] =	vst.idx.add.f32.msk vm1, v5  }
0x7e: {  	v6 =	vld [tilespmem:$0x1FFF0];
	_ =	sdelay $0x4  }
0x7f: {  	vm1 =	vnez.u8 v6  }
0x80: {  	v6 =	vld [tilespmem:$0x1FFE0];
	_ =	sdelay $0x4  }
0x81: {  	[tilespmem:v2+s9+$0x0] =	vst.idx.add.f32.msk vm1, v5;
	vm1 =	vnez.u8 v6;
	_ =	sdelay $0x3  }
0x82: {  	s10 =	sadd.s32 $0x1, s10  }
0x83: {  	p0 =	sne.s32 s10, s6  }
.Ltmp2:
0x84: {  	[tilespmem:v3+s9+$0x0] =	vst.idx.add.f32.msk vm1, v5;
	(pc) =	sbr.rel @p0 .LBB2_1-.Ltmp2, $4  }
0x85: {  	[hbm4b:s5+s4] =	stream.linear.scatter [tilespmem:s9], [sflag:$0x1], $0x8000, $0x38;
	[tilespmem:$0xFD00] =	vst v63  }
0x86: {  	_ =	swait.ge [sflag:s7], $0x8000  }
0x87: {  	[sflag:s7] =	ssyncset.done $0x0  }
0x88: {  	[sflag:s7] =	ssyncadd.s32 $0xFFFF8000  }
0x89: {  	_ =	sfence.sel $0x180000  }
0x8a: {  	[bflag:$0x0] =	sbarrier.arrive $0xFFFF  }
0x8b: {  	p0 =	sne.s32 s0, $0x0;
	_ =	strace $0x90000047  }
0x8c: {  	s0 =	sadd.s32 @!p0 $0x100000, s3;
	[bflag:$0x2] =	sbarrier.arrive $0xFFFF  }
0x8d: {  	[sflag:s0] =	ssyncadd.tile.s32 @!p0 $0x1;
	_ =	shalt  }
.Lfunc_end2:
_tile_overlayer_lowered:
.L_overlay_start_2:
0x8e: {  	(tag) =	ssettag $0x2  }
0x8f: {  	s0 =	rddreg [dreg:$0x0];
	s2 =	stileid.u32  }
0x90: {  	s1 =	rddreg [dreg:$0x1];
	p0 =	sne.s32 s2, $0x0  }
0x91: {  	s3 =	rddreg [dreg:$0x2];
	[bflag:$0x3] =	sbarrier.arrive $0xFFFF;
	s2 =	simm.s32 @!p0 $0x1C01  }
0x92: {  	[timem:s3], [sflag:s2] =	dma.local @!p0 [hbm:s0], s1  }
0x93: {  	s0 =	simm.s32 @!p0 $0x1  }
0x94: {  	_ =	swait.ge @!p0 [sflag:s0], s1  }
0x95: {  	s1 =	ssub.s32 @!p0 $0x0, s1;
	[sflag:s0] =	ssyncset.done @!p0 $0x0  }
0x96: {  	[sflag:s0] =	ssyncadd.s32 @!p0 s1  }
0x97: {  	[bflag:$0x3] =	sbarrier.arrive $0xFFFF  }
0x98: {  	_ =	shalt  }

</sc_bundles>
